<compile_context>
chip_gen: v7x
topology: tpu7x:2x2x1
jax: 0.10.2.dev20260603
libtpu: 0.0.44.dev20260713+nightly
codegen_flags: <defaults>
</compile_context>

<pallas_src>
import jax
import jax.numpy as jnp
from jax import lax
from jax.experimental import pallas as pl
from jax.experimental.pallas import tpu as pltpu
from jax.experimental.pallas import tpu_sc as plsc

VOCAB = 100000
EMBED = 128
BATCH = 4096
HIST = 50

NC = 2
NS = 16
NW = NC * NS

B_PER_W = BATCH // NW
CB = 2
CHUNK = CB * HIST
CHUNK_PAD = 128
N_CHUNKS = B_PER_W // CB
NBUF = 4
LAG = 2
N_GROUPS = N_CHUNKS // NBUF


def _gather_body(idx_hbm, table_hbm, out_hbm, idx_v, *bufs_and_sems):
    bufs = bufs_and_sems[:NBUF]
    gsem = bufs_and_sems[NBUF:2 * NBUF]
    osem = bufs_and_sems[2 * NBUF:]
    wid = lax.axis_index("s") * NC + lax.axis_index("c")
    batch_base = wid * B_PER_W

    pltpu.sync_copy(idx_hbm.at[wid], idx_v)

    def start_gather(g, b):
        pltpu.async_copy(table_hbm.at[idx_v.at[g]], bufs[b], gsem[b])

    def wait_gather(g, b):
        pltpu.make_async_copy(
            table_hbm.at[idx_v.at[g]], bufs[b], gsem[b]
        ).wait()

    def _out_refs(g, b):
        src = bufs[b]
        dst = out_hbm.at[pl.ds((wid * N_CHUNKS + g) * CHUNK_PAD, CHUNK_PAD)]
        return src, dst

    def start_out(g, b):
        src, dst = _out_refs(g, b)
        pltpu.async_copy(src, dst, osem[b])

    def wait_out(g, b):
        src, dst = _out_refs(g, b)
        pltpu.make_async_copy(src, dst, osem[b]).wait()

    for b in range(NBUF):
        start_gather(b, b)

    def group(t, _):
        for b in range(NBUF):
            g = t * NBUF + b
            wait_gather(g, b)
            start_out(g, b)
            gp = g - LAG
            bp = (b - LAG) % NBUF

            @pl.when(gp >= 0)
            def _(gp=gp, bp=bp):
                wait_out(gp, bp)

            @pl.when(jnp.logical_and(gp >= 0, gp + NBUF < N_CHUNKS))
            def _(gp=gp, bp=bp):
                start_gather(gp + NBUF, bp)

        return 0

    lax.fori_loop(0, N_GROUPS, group, 0)

    for g in range(N_CHUNKS - LAG, N_CHUNKS):
        wait_out(g, g % NBUF)


@jax.jit
def _embedding_gather(idxp, table):
    mesh = plsc.VectorSubcoreMesh(
        core_axis_name="c", subcore_axis_name="s",
        num_cores=NC, num_subcores=NS,
    )
    k = pl.kernel(
        _gather_body,
        out_type=jax.ShapeDtypeStruct((NW * N_CHUNKS * CHUNK_PAD, EMBED), jnp.float32),
        mesh=mesh,
        scratch_types=[
            pltpu.VMEM((N_CHUNKS, CHUNK_PAD), jnp.int32),
        ] + [pltpu.VMEM((CHUNK_PAD, EMBED), jnp.float32)] * NBUF
          + [pltpu.SemaphoreType.DMA] * (2 * NBUF),
    )
    return k(idxp, table)


def kernel(indices, table):
    idxp = jnp.pad(
        indices.astype(jnp.int32).reshape(NW, N_CHUNKS, CHUNK),
        ((0, 0), (0, 0), (0, CHUNK_PAD - CHUNK)),
    )
    return _embedding_gather(idxp, table)

# --- scband reference (transcript-rebuilt; emitter-appended) ---
"""Pipeline reference for scband-model-embeddings-33371895890540 (READ-ONLY COPY).

The authoritative reference and input builder live on the scoring server;
editing this copy changes nothing except your own understanding.
"""

import jax, jax.numpy as jnp
import numpy as np

VOCAB = 100000
EMBED = 128
PAD_IDX = 0
BATCH = 4096
HIST = 50


def setup_inputs(seed: int = 0) -> dict:
    key = jax.random.key(seed)
    k_tab, k_idx = jax.random.split(key)
    # weights_matrix: in the original, rows are either fasttext vectors or
    # N(0, 0.6) random init; with an empty fasttext_dict every row is random.
    table = jax.random.normal(k_tab, (VOCAB, EMBED), dtype=jnp.float32) * 0.6
    # nn.Embedding with padding_idx zeroes the pad row on init
    table = table.at[PAD_IDX].set(0.0)
    indices = jax.random.randint(k_idx, (BATCH, HIST), 0, VOCAB, dtype=jnp.int64)
    return {"indices": indices, "table": table}


def reference(indices, table):
    # ModelEmbeddings.source[0](indices): embedding lookup with padding_idx
    t = table.at[PAD_IDX].set(0.0)
    return jnp.take(t, indices, axis=0)

if __name__ == "__main__":
    import jax
    _d = setup_inputs()
    print(jax.jit(kernel)(*tuple(_d.values())))

</pallas_src>

<mosaic_0001>
#map = affine_map<(d0, d1) -> (0, 0, 0)>
#map1 = affine_map<(d0, d1) -> (0, 0)>
module attributes {stable_mosaic.version = 14 : i64} {
  func.func @_gather_body(%arg0: i32, %arg1: i32, %arg2: memref<32x64x128xi32, #tpu.memory_space<hbm>>, %arg3: memref<100000x128xf32, #tpu.memory_space<hbm>>, %arg4: memref<262144x128xf32, #tpu.memory_space<hbm>>, %arg5: memref<64x128xi32, #tpu.memory_space<vmem>>, %arg6: memref<128x128xf32, #tpu.memory_space<vmem>>, %arg7: memref<128x128xf32, #tpu.memory_space<vmem>>, %arg8: memref<128x128xf32, #tpu.memory_space<vmem>>, %arg9: memref<128x128xf32, #tpu.memory_space<vmem>>, %arg10: memref<!tpu.dma_semaphore, #tpu.memory_space<semaphore_mem>>, %arg11: memref<!tpu.dma_semaphore, #tpu.memory_space<semaphore_mem>>, %arg12: memref<!tpu.dma_semaphore, #tpu.memory_space<semaphore_mem>>, %arg13: memref<!tpu.dma_semaphore, #tpu.memory_space<semaphore_mem>>, %arg14: memref<!tpu.dma_semaphore, #tpu.memory_space<semaphore_mem>>, %arg15: memref<!tpu.dma_semaphore, #tpu.memory_space<semaphore_mem>>, %arg16: memref<!tpu.dma_semaphore, #tpu.memory_space<semaphore_mem>>, %arg17: memref<!tpu.dma_semaphore, #tpu.memory_space<semaphore_mem>>) attributes {dimension_semantics = [#tpu.dimension_semantics<core_parallel>, #tpu.dimension_semantics<subcore_parallel>], iteration_bounds = array<i64: 2, 16>, scalar_prefetch = 0 : i64, scratch_operands = 13 : i64, tpu.core_type = #tpu.core_type<sc_vector_subcore>, window_params = [{transform_indices = #map}, {transform_indices = #map1}, {transform_indices = #map1}]} {
    %mul3A = arith.constant 2 : i32
    %mul3A_0 = arith.muli %arg1, %mul3A : i32
    %add3A = arith.addi %mul3A_0, %arg0 : i32
    %mul3A_1 = arith.constant 128 : i32
    %mul3A_2 = arith.muli %add3A, %mul3A_1 : i32
    "tpu.region"() ({
      %run_scoped3A = tpu.sem_alloc : memref<!tpu.dma_semaphore, #tpu.memory_space<semaphore_mem>>
      %dma_start3A_55 = arith.constant 0 : i32
      %dma_start3A_56 = arith.constant 0 : i32
      %dma_start3A_57 = tpu.memref_slice %arg2[%add3A, %dma_start3A_55, %dma_start3A_56] : memref<32x64x128xi32, #tpu.memory_space<hbm>> -> memref<1x64x128xi32, #tpu.memory_space<hbm>>
      %dma_start3A_58 = tpu.memref_squeeze %dma_start3A_57 : memref<1x64x128xi32, #tpu.memory_space<hbm>> -> memref<64x128xi32, #tpu.memory_space<hbm>>
      %dma_start3A_59 = arith.constant 0 : i32
      %dma_start3A_60 = arith.constant 0 : i32
      %dma_start3A_61 = tpu.memref_slice %arg2[%add3A, %dma_start3A_59, %dma_start3A_60] : memref<32x64x128xi32, #tpu.memory_space<hbm>> -> memref<1x64x128xi32, #tpu.memory_space<hbm>>
      %dma_start3A_62 = tpu.memref_squeeze %dma_start3A_61 : memref<1x64x128xi32, #tpu.memory_space<hbm>> -> memref<64x128xi32, #tpu.memory_space<hbm>>
      tpu.enqueue_dma source(%dma_start3A_62 : memref<64x128xi32, #tpu.memory_space<hbm>>) target(%arg5 : memref<64x128xi32, #tpu.memory_space<vmem>>) target_semaphore(%run_scoped3A : memref<!tpu.dma_semaphore, #tpu.memory_space<semaphore_mem>>)
      %dma_wait3A_63 = arith.constant 0 : i32
      %dma_wait3A_64 = arith.constant 0 : i32
      %dma_wait3A_65 = tpu.memref_slice %arg2[%add3A, %dma_wait3A_63, %dma_wait3A_64] : memref<32x64x128xi32, #tpu.memory_space<hbm>> -> memref<1x64x128xi32, #tpu.memory_space<hbm>>
      %dma_wait3A_66 = tpu.memref_squeeze %dma_wait3A_65 : memref<1x64x128xi32, #tpu.memory_space<hbm>> -> memref<64x128xi32, #tpu.memory_space<hbm>>
      %dma_wait3A_67 = arith.constant 0 : i32
      %dma_wait3A_68 = arith.constant 0 : i32
      %dma_wait3A_69 = tpu.memref_slice %arg2[%add3A, %dma_wait3A_67, %dma_wait3A_68] : memref<32x64x128xi32, #tpu.memory_space<hbm>> -> memref<1x64x128xi32, #tpu.memory_space<hbm>>
      %dma_wait3A_70 = tpu.memref_squeeze %dma_wait3A_69 : memref<1x64x128xi32, #tpu.memory_space<hbm>> -> memref<64x128xi32, #tpu.memory_space<hbm>>
      tpu.wait_dma2 semaphore(%run_scoped3A : memref<!tpu.dma_semaphore, #tpu.memory_space<semaphore_mem>>) src(%dma_wait3A_70 : memref<64x128xi32, #tpu.memory_space<hbm>>) dst(%arg5 : memref<64x128xi32, #tpu.memory_space<vmem>>)
      tpu.yield
    }) : () -> ()
    %dma_start3A = arith.constant 0 : i32
    %dma_start3A_3 = arith.constant 0 : i32
    %dma_start3A_4 = tpu.memref_slice %arg5[%dma_start3A, %dma_start3A_3] : memref<64x128xi32, #tpu.memory_space<vmem>> -> memref<1x128xi32, #tpu.memory_space<vmem>>
    %dma_start3A_5 = tpu.memref_squeeze %dma_start3A_4 : memref<1x128xi32, #tpu.memory_space<vmem>> -> memref<128xi32, #tpu.memory_space<vmem>>
    %dma_start3A_6 = arith.constant 0 : i32
    %dma_start3A_7 = arith.constant 0 : i32
    %dma_start3A_8 = tpu.memref_slice %arg3[%dma_start3A_6, %dma_start3A_7] : memref<100000x128xf32, #tpu.memory_space<hbm>> -> memref<100000x128xf32, #tpu.memory_space<hbm>>
    tpu.enqueue_indirect_dma source(%dma_start3A_8 : memref<100000x128xf32, #tpu.memory_space<hbm>>) target(%arg6 : memref<128x128xf32, #tpu.memory_space<vmem>>) offsets(%dma_start3A_5 : memref<128xi32, #tpu.memory_space<vmem>>) semaphore(%arg10 : memref<!tpu.dma_semaphore, #tpu.memory_space<semaphore_mem>>)
    %dma_start3A_9 = arith.constant 1 : i32
    %dma_start3A_10 = arith.constant 0 : i32
    %dma_start3A_11 = tpu.memref_slice %arg5[%dma_start3A_9, %dma_start3A_10] : memref<64x128xi32, #tpu.memory_space<vmem>> -> memref<1x128xi32, #tpu.memory_space<vmem>>
    %dma_start3A_12 = tpu.memref_squeeze %dma_start3A_11 : memref<1x128xi32, #tpu.memory_space<vmem>> -> memref<128xi32, #tpu.memory_space<vmem>>
    %dma_start3A_13 = arith.constant 0 : i32
    %dma_start3A_14 = arith.constant 0 : i32
    %dma_start3A_15 = tpu.memref_slice %arg3[%dma_start3A_13, %dma_start3A_14] : memref<100000x128xf32, #tpu.memory_space<hbm>> -> memref<100000x128xf32, #tpu.memory_space<hbm>>
    tpu.enqueue_indirect_dma source(%dma_start3A_15 : memref<100000x128xf32, #tpu.memory_space<hbm>>) target(%arg7 : memref<128x128xf32, #tpu.memory_space<vmem>>) offsets(%dma_start3A_12 : memref<128xi32, #tpu.memory_space<vmem>>) semaphore(%arg11 : memref<!tpu.dma_semaphore, #tpu.memory_space<semaphore_mem>>)
    %dma_start3A_16 = arith.constant 2 : i32
    %dma_start3A_17 = arith.constant 0 : i32
    %dma_start3A_18 = tpu.memref_slice %arg5[%dma_start3A_16, %dma_start3A_17] : memref<64x128xi32, #tpu.memory_space<vmem>> -> memref<1x128xi32, #tpu.memory_space<vmem>>
    %dma_start3A_19 = tpu.memref_squeeze %dma_start3A_18 : memref<1x128xi32, #tpu.memory_space<vmem>> -> memref<128xi32, #tpu.memory_space<vmem>>
    %dma_start3A_20 = arith.constant 0 : i32
    %dma_start3A_21 = arith.constant 0 : i32
    %dma_start3A_22 = tpu.memref_slice %arg3[%dma_start3A_20, %dma_start3A_21] : memref<100000x128xf32, #tpu.memory_space<hbm>> -> memref<100000x128xf32, #tpu.memory_space<hbm>>
    tpu.enqueue_indirect_dma source(%dma_start3A_22 : memref<100000x128xf32, #tpu.memory_space<hbm>>) target(%arg8 : memref<128x128xf32, #tpu.memory_space<vmem>>) offsets(%dma_start3A_19 : memref<128xi32, #tpu.memory_space<vmem>>) semaphore(%arg12 : memref<!tpu.dma_semaphore, #tpu.memory_space<semaphore_mem>>)
    %dma_start3A_23 = arith.constant 3 : i32
    %dma_start3A_24 = arith.constant 0 : i32
    %dma_start3A_25 = tpu.memref_slice %arg5[%dma_start3A_23, %dma_start3A_24] : memref<64x128xi32, #tpu.memory_space<vmem>> -> memref<1x128xi32, #tpu.memory_space<vmem>>
    %dma_start3A_26 = tpu.memref_squeeze %dma_start3A_25 : memref<1x128xi32, #tpu.memory_space<vmem>> -> memref<128xi32, #tpu.memory_space<vmem>>
    %dma_start3A_27 = arith.constant 0 : i32
    %dma_start3A_28 = arith.constant 0 : i32
    %dma_start3A_29 = tpu.memref_slice %arg3[%dma_start3A_27, %dma_start3A_28] : memref<100000x128xf32, #tpu.memory_space<hbm>> -> memref<100000x128xf32, #tpu.memory_space<hbm>>
    tpu.enqueue_indirect_dma source(%dma_start3A_29 : memref<100000x128xf32, #tpu.memory_space<hbm>>) target(%arg9 : memref<128x128xf32, #tpu.memory_space<vmem>>) offsets(%dma_start3A_26 : memref<128xi32, #tpu.memory_space<vmem>>) semaphore(%arg13 : memref<!tpu.dma_semaphore, #tpu.memory_space<semaphore_mem>>)
    %scan3A = arith.constant 0 : i32
    %scan3A_30 = arith.constant 0 : i32
    %scan3A_31 = arith.constant 16 : i32
    %scan3A_32 = arith.addi %scan3A_30, %scan3A_31 : i32
    %scan3A_33 = arith.constant 1 : i32
    %scan3A_34 = scf.for %scan3A_55 = %scan3A_30 to %scan3A_32 step %scan3A_33 iter_args(%scan3A_56 = %scan3A) -> (i32)  : i32 {
      %mul3A_57 = arith.constant 4 : i32
      %mul3A_58 = arith.muli %scan3A_55, %mul3A_57 : i32
      %add3A_59 = arith.constant 0 : i32
      %add3A_60 = arith.addi %mul3A_58, %add3A_59 : i32
      %dma_wait3A_61 = arith.constant 0 : i32
      %dma_wait3A_62 = tpu.memref_slice %arg5[%add3A_60, %dma_wait3A_61] : memref<64x128xi32, #tpu.memory_space<vmem>> -> memref<1x128xi32, #tpu.memory_space<vmem>>
      %dma_wait3A_63 = tpu.memref_squeeze %dma_wait3A_62 : memref<1x128xi32, #tpu.memory_space<vmem>> -> memref<128xi32, #tpu.memory_space<vmem>>
      %dma_wait3A_64 = arith.constant 0 : i32
      %dma_wait3A_65 = arith.constant 0 : i32
      %dma_wait3A_66 = tpu.memref_slice %arg3[%dma_wait3A_64, %dma_wait3A_65] : memref<100000x128xf32, #tpu.memory_space<hbm>> -> memref<100000x128xf32, #tpu.memory_space<hbm>>
      tpu.wait_indirect_dma semaphore(%arg10 : memref<!tpu.dma_semaphore, #tpu.memory_space<semaphore_mem>>) src(%dma_wait3A_66 : memref<100000x128xf32, #tpu.memory_space<hbm>>) dst(%arg6 : memref<128x128xf32, #tpu.memory_space<vmem>>)
      %mul3A_67 = arith.constant 64 : i32
      %mul3A_68 = arith.muli %add3A, %mul3A_67 : i32
      %add3A_69 = arith.addi %mul3A_68, %add3A_60 : i32
      %mul3A_70 = arith.constant 128 : i32
      %mul3A_71 = arith.muli %add3A_69, %mul3A_70 : i32
      %dma_start3A_72 = arith.constant 0 : i32
      %dma_start3A_73 = tpu.memref_slice %arg4[%mul3A_71, %dma_start3A_72] : memref<262144x128xf32, #tpu.memory_space<hbm>> -> memref<128x128xf32, #tpu.memory_space<hbm>>
      %dma_start3A_74 = arith.constant 0 : i32
      %dma_start3A_75 = tpu.memref_slice %arg4[%mul3A_71, %dma_start3A_74] : memref<262144x128xf32, #tpu.memory_space<hbm>> -> memref<128x128xf32, #tpu.memory_space<hbm>>
      tpu.enqueue_dma source(%arg6 : memref<128x128xf32, #tpu.memory_space<vmem>>) target(%dma_start3A_75 : memref<128x128xf32, #tpu.memory_space<hbm>>) target_semaphore(%arg14 : memref<!tpu.dma_semaphore, #tpu.memory_space<semaphore_mem>>)
      %sub3A = arith.constant 2 : i32
      %sub3A_76 = arith.subi %add3A_60, %sub3A : i32
      %ge3A = arith.constant 0 : i32
      %ge3A_77 = arith.cmpi sge, %sub3A_76, %ge3A : i32
      %convert_element_type3A = arith.extui %ge3A_77 : i1 to i32
      %cond3A = arith.constant 0 : i32
      %cond3A_78 = arith.cmpi ne, %convert_element_type3A, %cond3A : i32
      scf.if %cond3A_78 {
        %mul3A_196 = arith.constant 64 : i32
        %mul3A_197 = arith.muli %add3A, %mul3A_196 : i32
        %add3A_198 = arith.addi %mul3A_197, %sub3A_76 : i32
        %mul3A_199 = arith.constant 128 : i32
        %mul3A_200 = arith.muli %add3A_198, %mul3A_199 : i32
        %dma_wait3A_201 = arith.constant 0 : i32
        %dma_wait3A_202 = tpu.memref_slice %arg4[%mul3A_200, %dma_wait3A_201] : memref<262144x128xf32, #tpu.memory_space<hbm>> -> memref<128x128xf32, #tpu.memory_space<hbm>>
        %dma_wait3A_203 = arith.constant 0 : i32
        %dma_wait3A_204 = tpu.memref_slice %arg4[%mul3A_200, %dma_wait3A_203] : memref<262144x128xf32, #tpu.memory_space<hbm>> -> memref<128x128xf32, #tpu.memory_space<hbm>>
        tpu.wait_dma2 semaphore(%arg16 : memref<!tpu.dma_semaphore, #tpu.memory_space<semaphore_mem>>) src(%arg8 : memref<128x128xf32, #tpu.memory_space<vmem>>) dst(%dma_wait3A_204 : memref<128x128xf32, #tpu.memory_space<hbm>>)
      } else {
      }
      %ge3A_79 = arith.constant 0 : i32
      %ge3A_80 = arith.cmpi sge, %sub3A_76, %ge3A_79 : i32
      %add3A_81 = arith.constant 4 : i32
      %add3A_82 = arith.addi %sub3A_76, %add3A_81 : i32
      %lt3A = arith.constant 64 : i32
      %lt3A_83 = arith.cmpi slt, %add3A_82, %lt3A : i32
      %and3A = arith.andi %ge3A_80, %lt3A_83 : i1
      %convert_element_type3A_84 = arith.extui %and3A : i1 to i32
      %cond3A_85 = arith.constant 0 : i32
      %cond3A_86 = arith.cmpi ne, %convert_element_type3A_84, %cond3A_85 : i32
      scf.if %cond3A_86 {
        %add3A_196 = arith.constant 4 : i32
        %add3A_197 = arith.addi %sub3A_76, %add3A_196 : i32
        %dma_start3A_198 = arith.constant 0 : i32
        %dma_start3A_199 = tpu.memref_slice %arg5[%add3A_197, %dma_start3A_198] : memref<64x128xi32, #tpu.memory_space<vmem>> -> memref<1x128xi32, #tpu.memory_space<vmem>>
        %dma_start3A_200 = tpu.memref_squeeze %dma_start3A_199 : memref<1x128xi32, #tpu.memory_space<vmem>> -> memref<128xi32, #tpu.memory_space<vmem>>
        %dma_start3A_201 = arith.constant 0 : i32
        %dma_start3A_202 = arith.constant 0 : i32
        %dma_start3A_203 = tpu.memref_slice %arg3[%dma_start3A_201, %dma_start3A_202] : memref<100000x128xf32, #tpu.memory_space<hbm>> -> memref<100000x128xf32, #tpu.memory_space<hbm>>
        tpu.enqueue_indirect_dma source(%dma_start3A_203 : memref<100000x128xf32, #tpu.memory_space<hbm>>) target(%arg8 : memref<128x128xf32, #tpu.memory_space<vmem>>) offsets(%dma_start3A_200 : memref<128xi32, #tpu.memory_space<vmem>>) semaphore(%arg12 : memref<!tpu.dma_semaphore, #tpu.memory_space<semaphore_mem>>)
      } else {
      }
      %mul3A_87 = arith.constant 4 : i32
      %mul3A_88 = arith.muli %scan3A_55, %mul3A_87 : i32
      %add3A_89 = arith.constant 1 : i32
      %add3A_90 = arith.addi %mul3A_88, %add3A_89 : i32
      %dma_wait3A_91 = arith.constant 0 : i32
      %dma_wait3A_92 = tpu.memref_slice %arg5[%add3A_90, %dma_wait3A_91] : memref<64x128xi32, #tpu.memory_space<vmem>> -> memref<1x128xi32, #tpu.memory_space<vmem>>
      %dma_wait3A_93 = tpu.memref_squeeze %dma_wait3A_92 : memref<1x128xi32, #tpu.memory_space<vmem>> -> memref<128xi32, #tpu.memory_space<vmem>>
      %dma_wait3A_94 = arith.constant 0 : i32
      %dma_wait3A_95 = arith.constant 0 : i32
      %dma_wait3A_96 = tpu.memref_slice %arg3[%dma_wait3A_94, %dma_wait3A_95] : memref<100000x128xf32, #tpu.memory_space<hbm>> -> memref<100000x128xf32, #tpu.memory_space<hbm>>
      tpu.wait_indirect_dma semaphore(%arg11 : memref<!tpu.dma_semaphore, #tpu.memory_space<semaphore_mem>>) src(%dma_wait3A_96 : memref<100000x128xf32, #tpu.memory_space<hbm>>) dst(%arg7 : memref<128x128xf32, #tpu.memory_space<vmem>>)
      %mul3A_97 = arith.constant 64 : i32
      %mul3A_98 = arith.muli %add3A, %mul3A_97 : i32
      %add3A_99 = arith.addi %mul3A_98, %add3A_90 : i32
      %mul3A_100 = arith.constant 128 : i32
      %mul3A_101 = arith.muli %add3A_99, %mul3A_100 : i32
      %dma_start3A_102 = arith.constant 0 : i32
      %dma_start3A_103 = tpu.memref_slice %arg4[%mul3A_101, %dma_start3A_102] : memref<262144x128xf32, #tpu.memory_space<hbm>> -> memref<128x128xf32, #tpu.memory_space<hbm>>
      %dma_start3A_104 = arith.constant 0 : i32
      %dma_start3A_105 = tpu.memref_slice %arg4[%mul3A_101, %dma_start3A_104] : memref<262144x128xf32, #tpu.memory_space<hbm>> -> memref<128x128xf32, #tpu.memory_space<hbm>>
      tpu.enqueue_dma source(%arg7 : memref<128x128xf32, #tpu.memory_space<vmem>>) target(%dma_start3A_105 : memref<128x128xf32, #tpu.memory_space<hbm>>) target_semaphore(%arg15 : memref<!tpu.dma_semaphore, #tpu.memory_space<semaphore_mem>>)
      %sub3A_106 = arith.constant 2 : i32
      %sub3A_107 = arith.subi %add3A_90, %sub3A_106 : i32
      %ge3A_108 = arith.constant 0 : i32
      %ge3A_109 = arith.cmpi sge, %sub3A_107, %ge3A_108 : i32
      %convert_element_type3A_110 = arith.extui %ge3A_109 : i1 to i32
      %cond3A_111 = arith.constant 0 : i32
      %cond3A_112 = arith.cmpi ne, %convert_element_type3A_110, %cond3A_111 : i32
      scf.if %cond3A_112 {
        %mul3A_196 = arith.constant 64 : i32
        %mul3A_197 = arith.muli %add3A, %mul3A_196 : i32
        %add3A_198 = arith.addi %mul3A_197, %sub3A_107 : i32
        %mul3A_199 = arith.constant 128 : i32
        %mul3A_200 = arith.muli %add3A_198, %mul3A_199 : i32
        %dma_wait3A_201 = arith.constant 0 : i32
        %dma_wait3A_202 = tpu.memref_slice %arg4[%mul3A_200, %dma_wait3A_201] : memref<262144x128xf32, #tpu.memory_space<hbm>> -> memref<128x128xf32, #tpu.memory_space<hbm>>
        %dma_wait3A_203 = arith.constant 0 : i32
        %dma_wait3A_204 = tpu.memref_slice %arg4[%mul3A_200, %dma_wait3A_203] : memref<262144x128xf32, #tpu.memory_space<hbm>> -> memref<128x128xf32, #tpu.memory_space<hbm>>
        tpu.wait_dma2 semaphore(%arg17 : memref<!tpu.dma_semaphore, #tpu.memory_space<semaphore_mem>>) src(%arg9 : memref<128x128xf32, #tpu.memory_space<vmem>>) dst(%dma_wait3A_204 : memref<128x128xf32, #tpu.memory_space<hbm>>)
      } else {
      }
      %ge3A_113 = arith.constant 0 : i32
      %ge3A_114 = arith.cmpi sge, %sub3A_107, %ge3A_113 : i32
      %add3A_115 = arith.constant 4 : i32
      %add3A_116 = arith.addi %sub3A_107, %add3A_115 : i32
      %lt3A_117 = arith.constant 64 : i32
      %lt3A_118 = arith.cmpi slt, %add3A_116, %lt3A_117 : i32
      %and3A_119 = arith.andi %ge3A_114, %lt3A_118 : i1
      %convert_element_type3A_120 = arith.extui %and3A_119 : i1 to i32
      %cond3A_121 = arith.constant 0 : i32
      %cond3A_122 = arith.cmpi ne, %convert_element_type3A_120, %cond3A_121 : i32
      scf.if %cond3A_122 {
        %add3A_196 = arith.constant 4 : i32
        %add3A_197 = arith.addi %sub3A_107, %add3A_196 : i32
        %dma_start3A_198 = arith.constant 0 : i32
        %dma_start3A_199 = tpu.memref_slice %arg5[%add3A_197, %dma_start3A_198] : memref<64x128xi32, #tpu.memory_space<vmem>> -> memref<1x128xi32, #tpu.memory_space<vmem>>
        %dma_start3A_200 = tpu.memref_squeeze %dma_start3A_199 : memref<1x128xi32, #tpu.memory_space<vmem>> -> memref<128xi32, #tpu.memory_space<vmem>>
        %dma_start3A_201 = arith.constant 0 : i32
        %dma_start3A_202 = arith.constant 0 : i32
        %dma_start3A_203 = tpu.memref_slice %arg3[%dma_start3A_201, %dma_start3A_202] : memref<100000x128xf32, #tpu.memory_space<hbm>> -> memref<100000x128xf32, #tpu.memory_space<hbm>>
        tpu.enqueue_indirect_dma source(%dma_start3A_203 : memref<100000x128xf32, #tpu.memory_space<hbm>>) target(%arg9 : memref<128x128xf32, #tpu.memory_space<vmem>>) offsets(%dma_start3A_200 : memref<128xi32, #tpu.memory_space<vmem>>) semaphore(%arg13 : memref<!tpu.dma_semaphore, #tpu.memory_space<semaphore_mem>>)
      } else {
      }
      %mul3A_123 = arith.constant 4 : i32
      %mul3A_124 = arith.muli %scan3A_55, %mul3A_123 : i32
      %add3A_125 = arith.constant 2 : i32
      %add3A_126 = arith.addi %mul3A_124, %add3A_125 : i32
      %dma_wait3A_127 = arith.constant 0 : i32
      %dma_wait3A_128 = tpu.memref_slice %arg5[%add3A_126, %dma_wait3A_127] : memref<64x128xi32, #tpu.memory_space<vmem>> -> memref<1x128xi32, #tpu.memory_space<vmem>>
      %dma_wait3A_129 = tpu.memref_squeeze %dma_wait3A_128 : memref<1x128xi32, #tpu.memory_space<vmem>> -> memref<128xi32, #tpu.memory_space<vmem>>
      %dma_wait3A_130 = arith.constant 0 : i32
      %dma_wait3A_131 = arith.constant 0 : i32
      %dma_wait3A_132 = tpu.memref_slice %arg3[%dma_wait3A_130, %dma_wait3A_131] : memref<100000x128xf32, #tpu.memory_space<hbm>> -> memref<100000x128xf32, #tpu.memory_space<hbm>>
      tpu.wait_indirect_dma semaphore(%arg12 : memref<!tpu.dma_semaphore, #tpu.memory_space<semaphore_mem>>) src(%dma_wait3A_132 : memref<100000x128xf32, #tpu.memory_space<hbm>>) dst(%arg8 : memref<128x128xf32, #tpu.memory_space<vmem>>)
      %mul3A_133 = arith.constant 64 : i32
      %mul3A_134 = arith.muli %add3A, %mul3A_133 : i32
      %add3A_135 = arith.addi %mul3A_134, %add3A_126 : i32
      %mul3A_136 = arith.constant 128 : i32
      %mul3A_137 = arith.muli %add3A_135, %mul3A_136 : i32
      %dma_start3A_138 = arith.constant 0 : i32
      %dma_start3A_139 = tpu.memref_slice %arg4[%mul3A_137, %dma_start3A_138] : memref<262144x128xf32, #tpu.memory_space<hbm>> -> memref<128x128xf32, #tpu.memory_space<hbm>>
      %dma_start3A_140 = arith.constant 0 : i32
      %dma_start3A_141 = tpu.memref_slice %arg4[%mul3A_137, %dma_start3A_140] : memref<262144x128xf32, #tpu.memory_space<hbm>> -> memref<128x128xf32, #tpu.memory_space<hbm>>
      tpu.enqueue_dma source(%arg8 : memref<128x128xf32, #tpu.memory_space<vmem>>) target(%dma_start3A_141 : memref<128x128xf32, #tpu.memory_space<hbm>>) target_semaphore(%arg16 : memref<!tpu.dma_semaphore, #tpu.memory_space<semaphore_mem>>)
      %sub3A_142 = arith.constant 2 : i32
      %sub3A_143 = arith.subi %add3A_126, %sub3A_142 : i32
      %ge3A_144 = arith.constant 0 : i32
      %ge3A_145 = arith.cmpi sge, %sub3A_143, %ge3A_144 : i32
      %convert_element_type3A_146 = arith.extui %ge3A_145 : i1 to i32
      %cond3A_147 = arith.constant 0 : i32
      %cond3A_148 = arith.cmpi ne, %convert_element_type3A_146, %cond3A_147 : i32
      scf.if %cond3A_148 {
        %mul3A_196 = arith.constant 64 : i32
        %mul3A_197 = arith.muli %add3A, %mul3A_196 : i32
        %add3A_198 = arith.addi %mul3A_197, %sub3A_143 : i32
        %mul3A_199 = arith.constant 128 : i32
        %mul3A_200 = arith.muli %add3A_198, %mul3A_199 : i32
        %dma_wait3A_201 = arith.constant 0 : i32
        %dma_wait3A_202 = tpu.memref_slice %arg4[%mul3A_200, %dma_wait3A_201] : memref<262144x128xf32, #tpu.memory_space<hbm>> -> memref<128x128xf32, #tpu.memory_space<hbm>>
        %dma_wait3A_203 = arith.constant 0 : i32
        %dma_wait3A_204 = tpu.memref_slice %arg4[%mul3A_200, %dma_wait3A_203] : memref<262144x128xf32, #tpu.memory_space<hbm>> -> memref<128x128xf32, #tpu.memory_space<hbm>>
        tpu.wait_dma2 semaphore(%arg14 : memref<!tpu.dma_semaphore, #tpu.memory_space<semaphore_mem>>) src(%arg6 : memref<128x128xf32, #tpu.memory_space<vmem>>) dst(%dma_wait3A_204 : memref<128x128xf32, #tpu.memory_space<hbm>>)
      } else {
      }
      %ge3A_149 = arith.constant 0 : i32
      %ge3A_150 = arith.cmpi sge, %sub3A_143, %ge3A_149 : i32
      %add3A_151 = arith.constant 4 : i32
      %add3A_152 = arith.addi %sub3A_143, %add3A_151 : i32
      %lt3A_153 = arith.constant 64 : i32
      %lt3A_154 = arith.cmpi slt, %add3A_152, %lt3A_153 : i32
      %and3A_155 = arith.andi %ge3A_150, %lt3A_154 : i1
      %convert_element_type3A_156 = arith.extui %and3A_155 : i1 to i32
      %cond3A_157 = arith.constant 0 : i32
      %cond3A_158 = arith.cmpi ne, %convert_element_type3A_156, %cond3A_157 : i32
      scf.if %cond3A_158 {
        %add3A_196 = arith.constant 4 : i32
        %add3A_197 = arith.addi %sub3A_143, %add3A_196 : i32
        %dma_start3A_198 = arith.constant 0 : i32
        %dma_start3A_199 = tpu.memref_slice %arg5[%add3A_197, %dma_start3A_198] : memref<64x128xi32, #tpu.memory_space<vmem>> -> memref<1x128xi32, #tpu.memory_space<vmem>>
        %dma_start3A_200 = tpu.memref_squeeze %dma_start3A_199 : memref<1x128xi32, #tpu.memory_space<vmem>> -> memref<128xi32, #tpu.memory_space<vmem>>
        %dma_start3A_201 = arith.constant 0 : i32
        %dma_start3A_202 = arith.constant 0 : i32
        %dma_start3A_203 = tpu.memref_slice %arg3[%dma_start3A_201, %dma_start3A_202] : memref<100000x128xf32, #tpu.memory_space<hbm>> -> memref<100000x128xf32, #tpu.memory_space<hbm>>
        tpu.enqueue_indirect_dma source(%dma_start3A_203 : memref<100000x128xf32, #tpu.memory_space<hbm>>) target(%arg6 : memref<128x128xf32, #tpu.memory_space<vmem>>) offsets(%dma_start3A_200 : memref<128xi32, #tpu.memory_space<vmem>>) semaphore(%arg10 : memref<!tpu.dma_semaphore, #tpu.memory_space<semaphore_mem>>)
      } else {
      }
      %mul3A_159 = arith.constant 4 : i32
      %mul3A_160 = arith.muli %scan3A_55, %mul3A_159 : i32
      %add3A_161 = arith.constant 3 : i32
      %add3A_162 = arith.addi %mul3A_160, %add3A_161 : i32
      %dma_wait3A_163 = arith.constant 0 : i32
      %dma_wait3A_164 = tpu.memref_slice %arg5[%add3A_162, %dma_wait3A_163] : memref<64x128xi32, #tpu.memory_space<vmem>> -> memref<1x128xi32, #tpu.memory_space<vmem>>
      %dma_wait3A_165 = tpu.memref_squeeze %dma_wait3A_164 : memref<1x128xi32, #tpu.memory_space<vmem>> -> memref<128xi32, #tpu.memory_space<vmem>>
      %dma_wait3A_166 = arith.constant 0 : i32
      %dma_wait3A_167 = arith.constant 0 : i32
      %dma_wait3A_168 = tpu.memref_slice %arg3[%dma_wait3A_166, %dma_wait3A_167] : memref<100000x128xf32, #tpu.memory_space<hbm>> -> memref<100000x128xf32, #tpu.memory_space<hbm>>
      tpu.wait_indirect_dma semaphore(%arg13 : memref<!tpu.dma_semaphore, #tpu.memory_space<semaphore_mem>>) src(%dma_wait3A_168 : memref<100000x128xf32, #tpu.memory_space<hbm>>) dst(%arg9 : memref<128x128xf32, #tpu.memory_space<vmem>>)
      %mul3A_169 = arith.constant 64 : i32
      %mul3A_170 = arith.muli %add3A, %mul3A_169 : i32
      %add3A_171 = arith.addi %mul3A_170, %add3A_162 : i32
      %mul3A_172 = arith.constant 128 : i32
      %mul3A_173 = arith.muli %add3A_171, %mul3A_172 : i32
      %dma_start3A_174 = arith.constant 0 : i32
      %dma_start3A_175 = tpu.memref_slice %arg4[%mul3A_173, %dma_start3A_174] : memref<262144x128xf32, #tpu.memory_space<hbm>> -> memref<128x128xf32, #tpu.memory_space<hbm>>
      %dma_start3A_176 = arith.constant 0 : i32
      %dma_start3A_177 = tpu.memref_slice %arg4[%mul3A_173, %dma_start3A_176] : memref<262144x128xf32, #tpu.memory_space<hbm>> -> memref<128x128xf32, #tpu.memory_space<hbm>>
      tpu.enqueue_dma source(%arg9 : memref<128x128xf32, #tpu.memory_space<vmem>>) target(%dma_start3A_177 : memref<128x128xf32, #tpu.memory_space<hbm>>) target_semaphore(%arg17 : memref<!tpu.dma_semaphore, #tpu.memory_space<semaphore_mem>>)
      %sub3A_178 = arith.constant 2 : i32
      %sub3A_179 = arith.subi %add3A_162, %sub3A_178 : i32
      %ge3A_180 = arith.constant 0 : i32
      %ge3A_181 = arith.cmpi sge, %sub3A_179, %ge3A_180 : i32
      %convert_element_type3A_182 = arith.extui %ge3A_181 : i1 to i32
      %cond3A_183 = arith.constant 0 : i32
      %cond3A_184 = arith.cmpi ne, %convert_element_type3A_182, %cond3A_183 : i32
      scf.if %cond3A_184 {
        %mul3A_196 = arith.constant 64 : i32
        %mul3A_197 = arith.muli %add3A, %mul3A_196 : i32
        %add3A_198 = arith.addi %mul3A_197, %sub3A_179 : i32
        %mul3A_199 = arith.constant 128 : i32
        %mul3A_200 = arith.muli %add3A_198, %mul3A_199 : i32
        %dma_wait3A_201 = arith.constant 0 : i32
        %dma_wait3A_202 = tpu.memref_slice %arg4[%mul3A_200, %dma_wait3A_201] : memref<262144x128xf32, #tpu.memory_space<hbm>> -> memref<128x128xf32, #tpu.memory_space<hbm>>
        %dma_wait3A_203 = arith.constant 0 : i32
        %dma_wait3A_204 = tpu.memref_slice %arg4[%mul3A_200, %dma_wait3A_203] : memref<262144x128xf32, #tpu.memory_space<hbm>> -> memref<128x128xf32, #tpu.memory_space<hbm>>
        tpu.wait_dma2 semaphore(%arg15 : memref<!tpu.dma_semaphore, #tpu.memory_space<semaphore_mem>>) src(%arg7 : memref<128x128xf32, #tpu.memory_space<vmem>>) dst(%dma_wait3A_204 : memref<128x128xf32, #tpu.memory_space<hbm>>)
      } else {
      }
      %ge3A_185 = arith.constant 0 : i32
      %ge3A_186 = arith.cmpi sge, %sub3A_179, %ge3A_185 : i32
      %add3A_187 = arith.constant 4 : i32
      %add3A_188 = arith.addi %sub3A_179, %add3A_187 : i32
      %lt3A_189 = arith.constant 64 : i32
      %lt3A_190 = arith.cmpi slt, %add3A_188, %lt3A_189 : i32
      %and3A_191 = arith.andi %ge3A_186, %lt3A_190 : i1
      %convert_element_type3A_192 = arith.extui %and3A_191 : i1 to i32
      %cond3A_193 = arith.constant 0 : i32
      %cond3A_194 = arith.cmpi ne, %convert_element_type3A_192, %cond3A_193 : i32
      scf.if %cond3A_194 {
        %add3A_196 = arith.constant 4 : i32
        %add3A_197 = arith.addi %sub3A_179, %add3A_196 : i32
        %dma_start3A_198 = arith.constant 0 : i32
        %dma_start3A_199 = tpu.memref_slice %arg5[%add3A_197, %dma_start3A_198] : memref<64x128xi32, #tpu.memory_space<vmem>> -> memref<1x128xi32, #tpu.memory_space<vmem>>
        %dma_start3A_200 = tpu.memref_squeeze %dma_start3A_199 : memref<1x128xi32, #tpu.memory_space<vmem>> -> memref<128xi32, #tpu.memory_space<vmem>>
        %dma_start3A_201 = arith.constant 0 : i32
        %dma_start3A_202 = arith.constant 0 : i32
        %dma_start3A_203 = tpu.memref_slice %arg3[%dma_start3A_201, %dma_start3A_202] : memref<100000x128xf32, #tpu.memory_space<hbm>> -> memref<100000x128xf32, #tpu.memory_space<hbm>>
        tpu.enqueue_indirect_dma source(%dma_start3A_203 : memref<100000x128xf32, #tpu.memory_space<hbm>>) target(%arg7 : memref<128x128xf32, #tpu.memory_space<vmem>>) offsets(%dma_start3A_200 : memref<128xi32, #tpu.memory_space<vmem>>) semaphore(%arg11 : memref<!tpu.dma_semaphore, #tpu.memory_space<semaphore_mem>>)
      } else {
      }
      %scan3A_195 = arith.constant 0 : i32
      scf.yield %scan3A_195 : i32
    }
    %scan3A_35 = arith.constant 16 : i32
    %mul3A_36 = arith.constant 64 : i32
    %mul3A_37 = arith.muli %add3A, %mul3A_36 : i32
    %add3A_38 = arith.constant 62 : i32
    %add3A_39 = arith.addi %mul3A_37, %add3A_38 : i32
    %mul3A_40 = arith.constant 128 : i32
    %mul3A_41 = arith.muli %add3A_39, %mul3A_40 : i32
    %dma_wait3A = arith.constant 0 : i32
    %dma_wait3A_42 = tpu.memref_slice %arg4[%mul3A_41, %dma_wait3A] : memref<262144x128xf32, #tpu.memory_space<hbm>> -> memref<128x128xf32, #tpu.memory_space<hbm>>
    %dma_wait3A_43 = arith.constant 0 : i32
    %dma_wait3A_44 = tpu.memref_slice %arg4[%mul3A_41, %dma_wait3A_43] : memref<262144x128xf32, #tpu.memory_space<hbm>> -> memref<128x128xf32, #tpu.memory_space<hbm>>
    tpu.wait_dma2 semaphore(%arg16 : memref<!tpu.dma_semaphore, #tpu.memory_space<semaphore_mem>>) src(%arg8 : memref<128x128xf32, #tpu.memory_space<vmem>>) dst(%dma_wait3A_44 : memref<128x128xf32, #tpu.memory_space<hbm>>)
    %mul3A_45 = arith.constant 64 : i32
    %mul3A_46 = arith.muli %add3A, %mul3A_45 : i32
    %add3A_47 = arith.constant 63 : i32
    %add3A_48 = arith.addi %mul3A_46, %add3A_47 : i32
    %mul3A_49 = arith.constant 128 : i32
    %mul3A_50 = arith.muli %add3A_48, %mul3A_49 : i32
    %dma_wait3A_51 = arith.constant 0 : i32
    %dma_wait3A_52 = tpu.memref_slice %arg4[%mul3A_50, %dma_wait3A_51] : memref<262144x128xf32, #tpu.memory_space<hbm>> -> memref<128x128xf32, #tpu.memory_space<hbm>>
    %dma_wait3A_53 = arith.constant 0 : i32
    %dma_wait3A_54 = tpu.memref_slice %arg4[%mul3A_50, %dma_wait3A_53] : memref<262144x128xf32, #tpu.memory_space<hbm>> -> memref<128x128xf32, #tpu.memory_space<hbm>>
    tpu.wait_dma2 semaphore(%arg17 : memref<!tpu.dma_semaphore, #tpu.memory_space<semaphore_mem>>) src(%arg9 : memref<128x128xf32, #tpu.memory_space<vmem>>) dst(%dma_wait3A_54 : memref<128x128xf32, #tpu.memory_space<hbm>>)
    return
  }
}

</mosaic_0001>

<sc_bundles>
// kernel: _embedding_gather.3.cloned.1.call-start
scs
__scs_entry_jumppad:
0x0: {  	(pc) =	sbr.rel $0x88, $3  }
0x1: {  	(tag) =	ssettag $0x0;
	lr =	simm.s32 $0x1  }
0x2: {  	[smem:$0x3F9F] =	sst lr;
	_ =	strace $0xD0000000  }
0x3: {  	_ = 	snop  }
0x4: {  	_ = 	snop  }
0x5: {  	_ = 	snop  }
0x6: {  	_ = 	snop  }
0x7: {  	_ = 	snop  }
__scs_overlays_trampoline_lowered:
0x8: {  	[smem:$0x3FAE] =	sst s0  }
0x9: {  	[smem:$0x3FAF] =	sst s1  }
0xa: {  	[smem:$0x3FB0] =	sst s2  }
0xb: {  	[smem:$0x3FB1] =	sst s3  }
0xc: {  	[smem:$0x3FB2] =	sst s4  }
0xd: {  	[smem:$0x3FB3] =	sst s5  }
0xe: {  	[smem:$0x3FB4] =	sst s6  }
0xf: {  	[smem:$0x3FB5] =	sst s7  }
0x10: {  	[smem:$0x3FB6] =	sst s8  }
0x11: {  	[smem:$0x3FB7] =	sst s9;
	s0 =	simm.s32 @!p0 $0x0  }
0x12: {  	s1 =	sld [smem:$0x3F9D];
	s0 =	simm.s32 @p0 $0x1  }
0x13: {  	[smem:$0x3FB8] =	sst s0;
	s0 =	simm.s32 @!p1 $0x0  }
0x14: {  	s2 =	sld [smem:$0x3F9C];
	s0 =	simm.s32 @p1 $0x1  }
0x15: {  	[smem:$0x3FB9] =	sst s0;
	s0 =	simm.s32 @!p2 $0x0  }
0x16: {  	s3 =	sld [smem:$0x3FDB];
	s0 =	simm.s32 @p2 $0x1  }
0x17: {  	s4 =	simm.s32 $0x1BF5;
	[smem:$0x3FBB] =	sst s0  }
0x18: {  	s0 =	sld [smem:$0x3F9E];
	_ =	swait.ge [sflag:s4], $0x0  }
0x19: {  	s7 =	sld [smem:$0x3F9F]  }
0x1a: {  	s8 =	sadd.s32 $0xFFFFE003, lr  }
0x1b: {  	s9 =	sadd.s32 $0xFFFFFEF7, lr;
	s5 =	simm.s32 $0xFFFFFFFF;
	p2 =	slt.u32 s8, $0xFFFFF086  }
0x1c: {  	p1 =	slt.u32 s9, $0xF7A;
	s5 =	simm.s32 @!p2 $0x0  }
0x1d: {  	s5 =	simm.s32 @p1 $0x1;
	p0 =	seq.s32 s7, s2  }
0x1e: {  	s7 =	smul.u32 @!p0 $0xF7A, s2;
	p2 =	seq.s32 @!p0 s5, $0x0  }
0x1f: {  	s9 =	smul.u32 $0xF7A, s1;
	s8 =	simm.s32 @!p0 $0x1BF5;
	p2 =	por !p2, p0  }
0x20: {  	[sflag:s8] =	ssyncset.s32 @!p0 $0xFFFFF086;
	s6 =	sadd.s32 @!p0 s3, s7;
	s7 =	simm.s32 @!p0 $0x108  }
0x21: {  	s3 =	sadd.s32 s3, s9;
	s6 =	sadd.s32 @!p0 $0x88, s6;
	s7 =	simm.s32 @p2 $0x1082  }
0x22: {  	[simem:s7], [sflag:s8] =	dma.local @!p0 [hbm:s6], $0xF7A  }
0x23: {  	s9 =	sor.u32 $0xD0000000, s2;
	s6 =	simm.s32 $0x108;
	_ =	swait.ge @!p0 [sflag:s8], $0x0  }
0x24: {  	s3 =	sadd.s32 $0x88, s3;
	s6 =	simm.s32 @!p1 $0x1082;
	[sflag:s4] =	ssyncset.s32 $0xFFFFF086  }
0x25: {  	[simem:s6], [sflag:s4] =	dma.local [hbm:s3], $0xF7A  }
0x26: {  	[smem:$0x3F9F] =	sst s1;
	(tag) =	ssettag s2;
	_ =	strace s9  }
0x27: {  	s1 =	sld [smem:$0x3FAF]  }
0x28: {  	s2 =	sld [smem:$0x3FB0]  }
0x29: {  	s4 =	sld [smem:$0x3FB2]  }
0x2a: {  	p0 =	seq.s32 s5, $0x0;
	s5 =	sld [smem:$0x3FB3]  }
0x2b: {  	s6 =	sld [smem:$0x3FB4]  }
0x2c: {  	s7 =	sld [smem:$0x3FB5]  }
0x2d: {  	s3 =	simm.s32 $0x108;
	s8 =	sld [smem:$0x3FB6]  }
0x2e: {  	s3 =	simm.s32 @!p0 $0x1082;
	s9 =	sld [smem:$0x3FB7]  }
0x2f: {  	lr =	sadd.s32 s0, s3;
	s0 =	sld [smem:$0x3FAE]  }
0x30: {  	s3 =	sld [smem:$0x3FB1]  }
0x31: {  	[smem:$0x3FBA] =	sst s10  }
0x32: {  	s10 =	sld [smem:$0x3FB8];
	_ =	sdelay $0x3  }
0x33: {  	p0 =	seq.s32 s10, $0x1;
	s10 =	sld [smem:$0x3FBA];
	_ =	sdelay $0x3  }
0x34: {  	[smem:$0x3FBA] =	sst s10  }
0x35: {  	s10 =	sld [smem:$0x3FB9];
	_ =	sdelay $0x3  }
0x36: {  	p1 =	seq.s32 s10, $0x1;
	s10 =	sld [smem:$0x3FBA];
	_ =	sdelay $0x3  }
0x37: {  	[smem:$0x3FBA] =	sst s10  }
0x38: {  	s10 =	sld [smem:$0x3FBB]  }
0x39: {  	_ = 	snop;
	(pc) =	sbr.ind lr, $3  }
0x3a: {  	_ = 	snop  }
0x3b: {  	_ = 	snop  }
0x3c: {  	p2 =	seq.s32 s10, $0x1;
	s10 =	sld [smem:$0x3FBA]  }
0x3d: {  	_ =	shalt  }
0x3e: {  	_ =	shalt  }
0x3f: {  	_ =	shalt  }
0x40: {  	_ =	shalt  }
0x41: {  	_ =	shalt  }
0x42: {  	_ =	shalt  }
0x43: {  	_ =	shalt  }
0x44: {  	_ =	shalt  }
0x45: {  	_ =	shalt  }
0x46: {  	_ =	shalt  }
0x47: {  	_ =	shalt  }
0x48: {  	_ =	shalt  }
0x49: {  	_ =	shalt  }
0x4a: {  	_ =	shalt  }
0x4b: {  	_ =	shalt  }
0x4c: {  	_ =	shalt  }
0x4d: {  	_ =	shalt  }
0x4e: {  	_ =	shalt  }
0x4f: {  	_ =	shalt  }
0x50: {  	_ =	shalt  }
0x51: {  	_ =	shalt  }
0x52: {  	_ =	shalt  }
0x53: {  	_ =	shalt  }
0x54: {  	_ =	shalt  }
0x55: {  	_ =	shalt  }
0x56: {  	_ =	shalt  }
0x57: {  	_ =	shalt  }
0x58: {  	_ =	shalt  }
0x59: {  	_ =	shalt  }
0x5a: {  	_ =	shalt  }
0x5b: {  	_ =	shalt  }
0x5c: {  	_ =	shalt  }
0x5d: {  	_ =	shalt  }
0x5e: {  	_ =	shalt  }
0x5f: {  	_ =	shalt  }
0x60: {  	_ =	shalt  }
0x61: {  	_ =	shalt  }
0x62: {  	_ =	shalt  }
0x63: {  	_ =	shalt  }
0x64: {  	_ =	shalt  }
0x65: {  	_ =	shalt  }
0x66: {  	_ =	shalt  }
0x67: {  	_ =	shalt  }
0x68: {  	_ =	shalt  }
0x69: {  	_ =	shalt  }
0x6a: {  	_ =	shalt  }
0x6b: {  	_ =	shalt  }
0x6c: {  	_ =	shalt  }
0x6d: {  	_ =	shalt  }
0x6e: {  	_ =	shalt  }
0x6f: {  	_ =	shalt  }
0x70: {  	_ =	shalt  }
0x71: {  	_ =	shalt  }
0x72: {  	_ =	shalt  }
0x73: {  	_ =	shalt  }
0x74: {  	_ =	shalt  }
0x75: {  	_ =	shalt  }
0x76: {  	_ =	shalt  }
0x77: {  	_ =	shalt  }
0x78: {  	_ =	shalt  }
0x79: {  	_ =	shalt  }
0x7a: {  	_ =	shalt  }
0x7b: {  	_ =	shalt  }
0x7c: {  	_ =	shalt  }
0x7d: {  	_ =	shalt  }
0x7e: {  	_ =	shalt  }
0x7f: {  	_ =	shalt  }
0x80: {  	_ =	shalt  }
0x81: {  	_ =	shalt  }
0x82: {  	_ =	shalt  }
0x83: {  	_ =	shalt  }
0x84: {  	_ =	shalt  }
0x85: {  	_ =	shalt  }
0x86: {  	_ =	shalt  }
0x87: {  	_ =	shalt  }
.Lfunc_end0:
.L_simem_size_0:
called_computation_lowered:
.L_overlay_start_0:
0x88: {  	s2 =	sld [smem:$0x3FD9]  }
0x89: {  	s3 =	sld [smem:$0x3FFE];
	_ =	sdelay $0x1  }
0x8a: {  	s1 =	srdreg.scid  }
0x8b: {  	s0 =	sand.u32 $0x1, s1  }
0x8c: {  	s18 =	sshll.u32 s0, $0xA;
	s2 =	sadd.s32 s3, s2  }
0x8d: {  	s2 =	sadd.s32 s2, s18  }
0x8e: {  	[smem:$0x3FC6] =	sst s2  }
0x8f: {  	_ = 	snop  }
0x90: {  	s2 =	sld [smem:$0x3FC9]  }
0x91: {  	s19 =	sld [smem:$0x3FC8]  }
0x92: {  	s4 =	sld [smem:$0x3FD0];
	(tm) =	ssettm $0x1  }
0x93: {  	s5 =	sld [smem:$0x3FFB];
	_ =	sdelay $0x3  }
0x94: {  	_ =	strace s5  }
0x95: {  	s5 =	sld [smem:$0x3FFC];
	_ =	sdelay $0x3  }
0x96: {  	_ =	strace s5  }
0x97: {  	s5 =	sld [smem:$0x3FFD];
	_ =	sdelay $0x3  }
0x98: {  	_ =	strace s5  }
0x99: {  	_ =	strace $0x8FFFFFFF  }
0x9a: {  	s20 =	sld [smem:$0x3FDB];
	_ =	sdelay $0x1  }
0x9b: {  	s6 =	simm.s32 $_scs_section_size  }
0x9c: {  	s7 =	simm.s32 $_size__tile_overlayer_lowered;
	s8 =	simm.s32 $_tile_overlayer_lowered  }
0x9d: {  	s23 =	simm.s32 $0x1BFF;
	s22 =	sshll.u32 s8, $0x1;
	s5 =	sadd.s32 s6, s20  }
0x9e: {  	s9 =	simm.s32 $0x0;
	s21 =	sshll.u32 s7, $0x1;
	s7 =	sadd.s32 s22, s5  }
0x9f: {  	[timem:s9], [sflag:s23] =	dma.local [hbm:s7], s21  }
0xa0: {  	_ =	swait.ge [sflag:s23], s21  }
0xa1: {  	s6 =	ssub.s32 $0x0, s21;
	[sflag:s23] =	ssyncset.done $0x0  }
0xa2: {  	[sflag:s23] =	ssyncadd.s32 s6;
	_ =	sdelay $0x1  }
0xa3: {  	s24 =	simm.s32 $0x1B8B  }
0xa4: {  	_ =	swait.ge [sflag:s24], $0x1  }
0xa5: {  	[sflag:s24] =	ssyncset.done $0x0  }
0xa6: {  	s25 =	simm.s32 $0x1B8E;
	[sflag:s24] =	ssyncadd.s32 $0xFFFFFFFF  }
0xa7: {  	s26 =	simm.s32 $execute0_lowered;
	[smem:$0x3FD2] =	sst s25  }
0xa8: {  	s6 =	sshll.u32 s26, $0x1;
	_ =	strace $0x80000046;
	[dreg:$0x1] =	wrdreg $0xFFFFFFFF  }
0xa9: {  	s28 =	simm.s32 $_size_execute0_lowered;
	s5 =	sadd.s32 s5, s6;
	[dreg:$0x0] =	wrdreg $0x0  }
0xaa: {  	s6 =	sshll.u32 s28, $0x1;
	[dreg:$0x2] =	wrdreg s5  }
0xab: {  	[dreg:$0x3] =	wrdreg s6  }
0xac: {  	[dreg:$0x4] =	wrdreg $0xC0  }
0xad: {  	_ =	task [dreg:s9], $0x5FFFF  }
0xae: {  	[dreg:$0x1] =	wrdreg $0xFFFFFFFF  }
0xaf: {  	[dreg:$0x0] =	wrdreg $0x60  }
0xb0: {  	[dreg:$0x2] =	wrdreg s2  }
0xb1: {  	[dreg:$0x3] =	wrdreg s19  }
0xb2: {  	[dreg:$0x4] =	wrdreg s4  }
0xb3: {  	[dreg:$0x5] =	wrdreg $0x9  }
0xb4: {  	_ =	task.clear_ibuf [dreg:s9], $0x6FFFF;
	_ =	strace $0x90000046  }
0xb5: {  	s29 =	simm.s32 $0x9;
	_ =	strace $0x80000048  }
0xb6: {  	_ =	swait.ge [sflag:s29], $0x1  }
0xb7: {  	[sflag:s29] =	ssyncadd.s32 $0xFFFFFFFF  }
0xb8: {  	_ =	strace $0x90000048  }
0xb9: {  	_ =	sfence  }
0xba: {  	s30 =	sld [smem:$0x0];
	_ =	sdelay $0x2  }
0xbb: {  	s31 =	sshll.u32 s1, $0xD;
	s1 =	sshrl.u32 s1, $0x2  }
0xbc: {  	s3 =	sand.u32 $0x4000, s31;
	s1 =	sadd.s32 s1, s30  }
0xbd: {  	s0 =	sor.u32 s3, s0;
	s1 =	sshll.u32 s1, $0x11  }
0xbe: {  	s0 =	sor.u32 s1, s0  }
0xbf: {  	s0 =	sadd.s32 $0x8F2B, s0  }
0xc0: {  	[sflag:s0] =	ssyncadd.remote.s32 $0x1  }
0xc1: {  	_ =	sfence.sel $0xFFFF  }
0xc2: {  	[dreg:$0x0] =	wrdreg $0xFFFFFFFF;
	(pc) =	sbr.abs _section_cstart, $3  }
0xc3: {  	[dreg:$0x1] =	wrdreg $0xFFFFFFFF  }
0xc4: {  	_ =	task.clear_ibuf [dreg:s9], $0x2FFFF;
	_ =	strace $0x9FFFFFFF  }
0xc5: {  	(tm) =	ssettm $0x7FFFFFFF  }
tec
execute0_lowered:
.L_overlay_start_1:
0x0: {  	(tag) =	ssettag $0x1  }
0x1: {  	s5 =	rddreg [dreg:$0x0]  }
0x2: {  	s2 =	rddreg [dreg:$0x1]  }
0x3: {  	s3 =	rddreg [dreg:$0x2]  }
0x4: {  	s4 =	srdreg.scid;
	s0 =	stileid.u32  }
0x5: {  	s11 =	simm.s32 $0x80;
	s12 =	simm.s32 $0x2000;
	s13 =	simm.s32 $0x6000  }
0x6: {  	s15 =	simm.s32 $0xA000;
	s17 =	simm.s32 $0xE000;
	s18 =	simm.s32 $0x1  }
0x7: {  	s19 =	simm.s32 $0x2;
	s20 =	simm.s32 $0x3;
	s21 =	simm.s32 $0x5  }
0x8: {  	s22 =	simm.s32 $0x4;
	s23 =	simm.s32 $0x6;
	s24 =	simm.s32 $0x7  }
0x9: {  	s25 =	simm.s32 $0x8;
	s26 =	simm.s32 $0x0;
	s6 =	sand.u32 $0x1, s4  }
0xa: {  	s4 =	simm.s32 $0x0;
	s8 =	sshll.u32 s0, $0x1;
	s30 =	sshll.u32 s0, $0x12  }
0xb: {  	s7 =	ssub.s32 $0x2, s6;
	[smem:$0x7FF] =	sst s4;
	s8 =	sor.u32 s6, s8  }
.Ltmp0:
0xc: {  	s10 =	sshll.u32 s6, $0x11;
	s31 =	sadd.s32 s30, s3;
	(pc) =	sbr.rel .LBB2_1-.Ltmp0, $4  }
0xd: {  	s9 =	sshrl.u32 s7, $0x1;
	_ =	strace $0x80000047;
	s29 =	sshll.u32 s8, $0xA  }
0xe: {  	s6 =	sshll.u32 s8, $0x6;
	s7 =	ssub.s32 s7, s9;
	s9 =	sor.u32 s10, s30  }
0xf: {  	s8 =	sadd.s32 s10, s31;
	s5 =	sadd.s32 s5, s29;
	s9 =	sadd.s32 s9, s3  }
0x10: {  	s10 =	simm.s32 $0x9;
	s7 =	smax.u32 s7, $0x1;
	s9 =	sadd.s32 $0x800, s9  }
.LBB2_4:
0x11: {  	s26 =	sadd.s32 $0x1, s26  }
0x12: {  	_ =	swait.ge [sflag:s24], $0x4000;
	p0 =	sne.s32 s26, s7  }
.Ltmp1:
0x13: {  	[sflag:s24] =	ssyncset.done $0x0;
	(pc) =	sbr.rel @!p0 .LBB2_5-.Ltmp1, $4  }
0x14: {  	[sflag:s24] =	ssyncadd.s32 $0xFFFFC000  }
0x15: {  	_ =	swait.ge [sflag:s25], $0x4000  }
0x16: {  	[sflag:s25] =	ssyncset.done $0x0  }
0x17: {  	[sflag:s25] =	ssyncadd.s32 $0xFFFFC000  }
.LBB2_1:
0x18: {  	[tilespmem:s4], [sflag:$0x9] =	stream.linear.gather [hbm4b:s5+s4], $0x2000, $0x38;
	[tilespmem:$0x12000] =	vst v63  }
0x19: {  	_ =	swait.ge [sflag:s10], $0x2000  }
0x1a: {  	[sflag:s10] =	ssyncset.done $0x0  }
0x1b: {  	[sflag:s10] =	ssyncadd.s32 $0xFFFFE000  }
0x1c: {  	[tilespmem:s12], [sflag:$0x1] =	stream.indirect.gather [hbm4b:s2+s11], $0x80, s4, s11, $0xb8;
	[tilespmem:$0x12000] =	vst v63  }
0x1d: {  	_ = 	snop  }
0x1e: {  	[tilespmem:s13], [sflag:$0x2] =	stream.indirect.gather [hbm4b:s2+s11], $0x80, s11, s11, $0xb8;
	[tilespmem:$0x12000] =	vst v63  }
0x1f: {  	s0 =	simm.s32 $0x100;
	s16 =	simm.s32 $0x180;
	s28 =	smov.u32 s9  }
0x20: {  	[tilespmem:s15], [sflag:$0x3] =	stream.indirect.gather [hbm4b:s2+s11], $0x80, s0, s11, $0xb8;
	[tilespmem:$0x12000] =	vst v63  }
0x21: {  	s29 =	simm.s32 $0x3;
	s30 =	smov.u32 s8;
	s31 =	simm.s32 $0x0  }
0x22: {  	[tilespmem:s17], [sflag:$0x4] =	stream.indirect.gather [hbm4b:s2+s11], $0x80, s16, s11, $0xb8;
	[tilespmem:$0x12000] =	vst v63  }
.LBB2_2:
0x23: {  	_ =	swait.ge [sflag:s18], $0x4000  }
0x24: {  	p0 =	seq.s32 s31, $0x0;
	[sflag:s18] =	ssyncset.done $0x0  }
0x25: {  	s0 =	simm.s32 @!p0 $0x7;
	[sflag:s18] =	ssyncadd.s32 $0xFFFFC000  }
0x26: {  	[hbm4b:s30+s4] =	stream.linear.scatter [tilespmem:s12], [sflag:$0x5], $0x4000, $0x38;
	[tilespmem:$0x12000] =	vst v63  }
0x27: {  	_ =	swait.ge @!p0 [sflag:s0], $0x4000  }
0x28: {  	[sflag:s0] =	ssyncset.done @!p0 $0x0  }
0x29: {  	[sflag:s0] =	ssyncadd.s32 @!p0 $0xFFFFC000;
	s0 =	sshra.s32 @!p0 s31, $0x2  }
0x2a: {  	s14 =	simm.s32 @!p0 $0x80;
	s16 =	simm.s32 @!p0 $0xA000;
	s1 =	sadd.s32 @!p0 $0x100, s0  }
0x2b: {  	[tilespmem:s16], [sflag:$0x3] =	stream.indirect.gather @!p0 [hbm4b:s2+s14], $0x80, s1, s14, $0xb8;
	[tilespmem:$0x12000] =	vst v63  }
0x2c: {  	_ =	swait.ge [sflag:s19], $0x4000  }
0x2d: {  	[sflag:s19] =	ssyncset.done $0x0  }
0x2e: {  	s1 =	simm.s32 @!p0 $0x8;
	[sflag:s19] =	ssyncadd.s32 $0xFFFFC000  }
0x2f: {  	[hbm4b:s28+s4] =	stream.linear.scatter [tilespmem:s13], [sflag:$0x6], $0x4000, $0x38;
	[tilespmem:$0x12000] =	vst v63  }
0x30: {  	s16 =	sadd.s32 @!p0 $0xFFFFFFFF, s29;
	_ =	swait.ge @!p0 [sflag:s1], $0x4000  }
0x31: {  	s0 =	sadd.s32 @!p0 $0x180, s0;
	s16 =	simm.s32 @p0 $0x2;
	[sflag:s1] =	ssyncset.done @!p0 $0x0  }
0x32: {  	s16 =	sadd.s32 s6, s16;
	[sflag:s1] =	ssyncadd.s32 @!p0 $0xFFFFC000;
	s1 =	simm.s32 @!p0 $0xE000  }
0x33: {  	[tilespmem:s1], [sflag:$0x4] =	stream.indirect.gather @!p0 [hbm4b:s2+s14], $0x80, s0, s14, $0xb8;
	[tilespmem:$0x12000] =	vst v63  }
0x34: {  	s0 =	sshll.u32 s16, $0xB;
	_ =	swait.ge [sflag:s20], $0x4000  }
0x35: {  	p1 =	seq.s32 s31, $0x7800;
	s0 =	sand.u32 $0x1FFFF000, s0;
	[sflag:s20] =	ssyncset.done $0x0  }
0x36: {  	s1 =	sshra.s32 @!p1 s31, $0x2;
	s0 =	sadd.s32 s3, s0;
	[sflag:s20] =	ssyncadd.s32 $0xFFFFC000  }
0x37: {  	[hbm4b:s0+s4] =	stream.linear.scatter [tilespmem:s15], [sflag:$0x7], $0x4000, $0x38;
	[tilespmem:$0x12000] =	vst v63  }
0x38: {  	s14 =	simm.s32 @!p1 $0x80;
	s0 =	smov.u32 s29;
	_ =	swait.ge [sflag:s21], $0x4000  }
0x39: {  	s16 =	simm.s32 @!p1 $0x2000;
	s0 =	simm.s32 @p0 $0x3;
	[sflag:s21] =	ssyncset.done $0x0  }
0x3a: {  	s1 =	sadd.s32 @!p1 $0x200, s1;
	s0 =	sadd.s32 s6, s0;
	[sflag:s21] =	ssyncadd.s32 $0xFFFFC000  }
0x3b: {  	[tilespmem:s16], [sflag:$0x1] =	stream.indirect.gather @!p1 [hbm4b:s2+s14], $0x80, s1, s14, $0xb8;
	[tilespmem:$0x12000] =	vst v63  }
0x3c: {  	s0 =	sshll.u32 s0, $0xB;
	_ =	swait.ge [sflag:s22], $0x4000  }
0x3d: {  	s0 =	sand.u32 $0x1FFFF800, s0;
	[sflag:s22] =	ssyncset.done $0x0  }
.Ltmp2:
0x3e: {  	s0 =	sadd.s32 s3, s0;
	[sflag:s22] =	ssyncadd.s32 $0xFFFFC000;
	(pc) =	sbr.rel @p1 .LBB2_4-.Ltmp2, $4  }
0x3f: {  	[hbm4b:s0+s4] =	stream.linear.scatter [tilespmem:s17], [sflag:$0x8], $0x4000, $0x38;
	[tilespmem:$0x12000] =	vst v63  }
0x40: {  	_ =	swait.ge [sflag:s23], $0x4000  }
0x41: {  	[sflag:s23] =	ssyncset.done $0x0  }
0x42: {  	[sflag:s23] =	ssyncadd.s32 $0xFFFFC000  }
.Ltmp3:
0x43: {  	(pc) =	sbr.rel .LBB2_2-.Ltmp3, $4  }
0x44: {  	_ = 	snop  }
0x45: {  	s0 =	sshra.s32 s31, $0x2;
	s31 =	sadd.s32 $0x800, s31;
	s30 =	sadd.s32 $0x2000, s30  }
0x46: {  	s29 =	sadd.s32 $0x4, s29;
	s28 =	sadd.s32 $0x2000, s28;
	s0 =	sadd.s32 $0x280, s0  }
0x47: {  	[tilespmem:s13], [sflag:$0x2] =	stream.indirect.gather [hbm4b:s2+s11], $0x80, s0, s11, $0xb8;
	[tilespmem:$0x12000] =	vst v63  }
.LBB2_5:
0x48: {  	_ =	sfence.sel $0x180000  }
0x49: {  	[bflag:$0x0] =	sbarrier.arrive $0xFFFF  }
0x4a: {  	_ =	strace $0x90000047  }
0x4b: {  	s0 =	stileid.u32;
	[bflag:$0x2] =	sbarrier.arrive $0xFFFF  }
0x4c: {  	p0 =	sne.s32 s0, $0x0;
	s0 =	rddreg [dreg:$0x3]  }
0x4d: {  	s0 =	sadd.s32 @!p0 $0x100000, s0  }
0x4e: {  	[sflag:s0] =	ssyncadd.tile.s32 @!p0 $0x1;
	_ =	shalt  }
.Lfunc_end2:
_tile_overlayer_lowered:
.L_overlay_start_2:
0x4f: {  	(tag) =	ssettag $0x2  }
0x50: {  	s0 =	rddreg [dreg:$0x0];
	s2 =	stileid.u32  }
0x51: {  	s1 =	rddreg [dreg:$0x1];
	p0 =	sne.s32 s2, $0x0  }
0x52: {  	s3 =	rddreg [dreg:$0x2];
	[bflag:$0x3] =	sbarrier.arrive $0xFFFF;
	s2 =	simm.s32 @!p0 $0x1C09  }
0x53: {  	[timem:s3], [sflag:s2] =	dma.local @!p0 [hbm:s0], s1  }
0x54: {  	s0 =	simm.s32 @!p0 $0x9  }
0x55: {  	_ =	swait.ge @!p0 [sflag:s0], s1  }
0x56: {  	s1 =	ssub.s32 @!p0 $0x0, s1;
	[sflag:s0] =	ssyncset.done @!p0 $0x0  }
0x57: {  	[sflag:s0] =	ssyncadd.s32 @!p0 s1  }
0x58: {  	[bflag:$0x3] =	sbarrier.arrive $0xFFFF  }
0x59: {  	_ =	shalt  }

</sc_bundles>
